<compile_context>
chip_gen: v7x
topology: tpu7x:2x2x1
jax: 0.10.2.dev20260603
libtpu: 0.0.44.dev20260713+nightly
codegen_flags: <defaults>
</compile_context>

<pallas_src>
import jax
import jax.numpy as jnp
from jax import lax
from jax.experimental import pallas as pl
from jax.experimental.pallas import tpu as pltpu
from jax.experimental.pallas import tpu_sc as plsc

T = 2048
H = 1024
TB = 1024
GRID = T // TB

NC, NS, L = 2, 16, 16
NW = NC * NS
ROWS_PER_W = T // NW


def _row_form(col, n):
    eye = (lax.broadcasted_iota(jnp.int32, (n, n), 0)
           == lax.broadcasted_iota(jnp.int32, (n, n), 1))
    return jnp.sum(jnp.where(eye, col, 0), axis=0, keepdims=True)


def _stage_a(k, sw1, sb1, sw2, sb2, cw1, cb1, cw2, cb2, pos,
             comp_ref, rank_ref, impc_scr, impr_scr):
    s = pl.program_id(0)

    @pl.when(s < GRID)
    def _compute():
        kk = k[...]
        r1 = jnp.maximum(kk @ sw1[...] + sb1[...], 0.0)
        impb = (r1 @ sw2[...] + sb2[...])[:, 0:1]
        impc_scr[pl.ds(s * TB, TB), :] = impb
        impr_scr[pl.ds(s, 1), :] = _row_form(impb, TB)
        s1 = jax.nn.sigmoid((kk + pos[...]) @ cw1[...] + cb1[...])
        comp = s1 @ cw2[...] + cb2[...]
        comp_ref[...] = comp.astype(jnp.bfloat16)

    @pl.when(s >= GRID)
    def _rank():
        b = s - GRID
        mine = impc_scr[pl.ds(b * TB, TB), :]
        irow = b * TB + lax.broadcasted_iota(jnp.int32, (TB, TB), 0)
        total = jnp.zeros((TB, 1), jnp.int32)
        for c in range(GRID):
            alls = impr_scr[c:c + 1, :]
            gt = (alls > mine).astype(jnp.int32)
            eq = (alls == mine)
            jcol = c * TB + lax.broadcasted_iota(jnp.int32, (TB, TB), 1)
            eq_lt = jnp.where(eq & (jcol < irow), 1, 0)
            total = total + jnp.sum(gt + eq_lt, axis=1, keepdims=True)
        rank_ref[...] = total


CHUNK = 32


def _sc_scatter(key_hbm, rank_hbm, sel_hbm, rk0, rk1, buf0, buf1,
                sem_in, sem_out):
    wid = lax.axis_index("s") * NC + lax.axis_index("c")
    row0 = wid * ROWS_PER_W
    pltpu.sync_copy(rank_hbm.at[pl.ds(row0, CHUNK)], rk0)
    pltpu.sync_copy(rank_hbm.at[pl.ds(row0 + CHUNK, CHUNK)], rk1)
    pltpu.async_copy(key_hbm.at[pl.ds(row0, CHUNK)], buf0, sem_in).wait()
    s0 = pltpu.async_copy(buf0, sel_hbm.at[rk0], sem_out)
    pltpu.async_copy(key_hbm.at[pl.ds(row0 + CHUNK, CHUNK)], buf1,
                     sem_in).wait()
    s1 = pltpu.async_copy(buf1, sel_hbm.at[rk1], sem_out)
    s0.wait()
    s1.wait()


def _stage_b(q, v, gw1, gb1, gw2, gb2, wv, bv, comp, sel, out_ref):
    a1 = jnp.maximum(q[...] @ gw1[...] + gb1[...], 0.0)
    g = jax.nn.sigmoid(a1 @ gw2[...] + gb2[...])
    vp = v[...] @ wv[...] + bv[...]
    out_ref[...] = (g[:, 0:1] * comp[...].astype(jnp.float32)
                    + g[:, 1:2] * sel[...]
                    + g[:, 2:3] * vp)


def kernel(query, key, value, gate_w1, gate_b1, gate_w2, gate_b2,
           comp_w1, comp_b1, comp_w2, comp_b2, pos_enc,
           sel_w1, sel_b1, sel_w2, sel_b2, wq, bq, wk, bk, wv, bv):
    del wq, bq, wk, bk
    q2 = query.reshape(T, H)
    k2 = key.reshape(T, H)
    v2 = value.reshape(T, H)
    bf = jnp.bfloat16
    gw2p = jnp.pad(gate_w2, ((0, 0), (0, 128 - 3)))
    gb2p = jnp.pad(gate_b2, (0, 128 - 3)).reshape(1, 128)
    sw2p = jnp.pad(sel_w2, ((0, 0), (0, 128 - 1)))
    sb2p = jnp.pad(sel_b2, (0, 128 - 1)).reshape(1, 128)
    row = lambda b: b.reshape(1, H)

    full = lambda shp: pl.BlockSpec(shp, lambda i: (0, 0))
    tok = pl.BlockSpec((TB, H), lambda i: (i, 0))
    arb = pltpu.CompilerParams(dimension_semantics=("arbitrary",))

    comp_bf, rank_col = pl.pallas_call(
        _stage_a,
        grid=(2 * GRID,),
        in_specs=[pl.BlockSpec((TB, H), lambda i: (jnp.minimum(i, GRID - 1), 0)),
                  full((H, H)), full((1, H)), full((H, 128)), full((1, 128)),
                  full((H, H)), full((1, H)), full((H, H)), full((1, H)),
                  full((1, H))],
        out_specs=[pl.BlockSpec((TB, H),
                                lambda i: (jnp.minimum(i, GRID - 1), 0)),
                   pl.BlockSpec((TB, 1),
                                lambda i: (jnp.where(i < GRID, 0, i - GRID),
                                           0))],
        out_shape=[jax.ShapeDtypeStruct((T, H), bf),
                   jax.ShapeDtypeStruct((T, 1), jnp.int32)],
        scratch_shapes=[pltpu.VMEM((T, 1), jnp.float32),
                        pltpu.VMEM((GRID, TB), jnp.float32)],
        compiler_params=arb,
    )(k2, sel_w1, row(sel_b1), sw2p, sb2p,
      comp_w1, row(comp_b1), comp_w2, row(comp_b2),
      pos_enc.reshape(1, H))

    rank = rank_col.reshape(T)

    sel = pl.kernel(
        _sc_scatter,
        out_type=jax.ShapeDtypeStruct((T, H), jnp.float32),
        mesh=plsc.VectorSubcoreMesh(core_axis_name="c", subcore_axis_name="s",
                                    num_cores=NC, num_subcores=NS),
        scratch_types=[
            pltpu.VMEM((CHUNK,), jnp.int32),
            pltpu.VMEM((CHUNK,), jnp.int32),
            pltpu.VMEM((CHUNK, H), jnp.float32),
            pltpu.VMEM((CHUNK, H), jnp.float32),
            pltpu.SemaphoreType.DMA,
            pltpu.SemaphoreType.DMA,
        ],
    )(k2, rank)

    out = pl.pallas_call(
        _stage_b,
        grid=(GRID,),
        in_specs=[
            tok, tok,
            full((H, H)), full((1, H)), full((H, 128)), full((1, 128)),
            full((H, H)), full((1, H)),
            tok, tok,
        ],
        out_specs=tok,
        out_shape=jax.ShapeDtypeStruct((T, H), jnp.float32),
        compiler_params=arb,
    )(q2, v2, gate_w1, row(gate_b1), gw2p, gb2p,
      wv, row(bv), comp_bf, sel)

    return out.reshape(1, T, H)

# --- scband reference (transcript-rebuilt; emitter-appended) ---
"""Pipeline reference for scband-native-sparse-attention-21079699488984 (READ-ONLY COPY).

The authoritative reference and input builder live on the scoring server;
editing this copy changes nothing except your own understanding.
"""

import jax, jax.numpy as jnp
import numpy as np
import math

B, T, H = 1, 2048, 1024
BLOCK = 1

def setup_inputs() -> dict:
    key0 = jax.random.key(0)
    ks = jax.random.split(key0, 16)
    def w(i, shape, scale=0.02):
        return jax.random.normal(ks[i], shape, dtype=jnp.float32) * scale
    return {
        "query": jax.random.normal(ks[0], (B, T, H), dtype=jnp.float32),
        "key": jax.random.normal(ks[1], (B, T, H), dtype=jnp.float32),
        "value": jax.random.normal(ks[2], (B, T, H), dtype=jnp.float32),
        "gate_w1": w(3, (H, H)), "gate_b1": jnp.zeros((H,), jnp.float32),
        "gate_w2": w(4, (H, 3)), "gate_b2": jnp.zeros((3,), jnp.float32),
        "comp_w1": w(5, (H, H)), "comp_b1": jnp.zeros((H,), jnp.float32),
        "comp_w2": w(6, (H, H)), "comp_b2": jnp.zeros((H,), jnp.float32),
        "pos_enc": w(7, (BLOCK, H), 1.0),
        "sel_w1": w(8, (H, H)), "sel_b1": jnp.zeros((H,), jnp.float32),
        "sel_w2": w(9, (H, 1)), "sel_b2": jnp.zeros((1,), jnp.float32),
        "wq": w(10, (H, H)), "bq": jnp.zeros((H,), jnp.float32),
        "wk": w(11, (H, H)), "bk": jnp.zeros((H,), jnp.float32),
        "wv": w(12, (H, H)), "bv": jnp.zeros((H,), jnp.float32),
    }

def reference(query, key, value, gate_w1, gate_b1, gate_w2, gate_b2, comp_w1, comp_b1, comp_w2, comp_b2, pos_enc, sel_w1, sel_b1, sel_w2, sel_b2, wq, bq, wk, bk, wv, bv):
    Bb, Tt, Hh = query.shape
    # gate MLP: Linear -> ReLU -> Linear(3) -> Sigmoid
    g = jax.nn.sigmoid(jax.nn.relu(query @ gate_w1 + gate_b1) @ gate_w2 + gate_b2)
    g_comp = g[..., 0:1]; g_sel = g[..., 1:2]; g_win = g[..., 2:3]
    # compression path (block_size=1): blocks + pos enc, mean over block, MLP (Linear->Sigmoid->Linear)
    xb = key.reshape(Bb, -1, BLOCK, Hh) + pos_enc[None, None, :, :]
    m = jnp.mean(xb, axis=-2)
    compressed = jax.nn.sigmoid(m @ comp_w1 + comp_b1) @ comp_w2 + comp_b2
    # selection path: importance MLP + top-k gather (top_k=1.0 -> k=T, full reorder)
    imp = (jax.nn.relu(key @ sel_w1 + sel_b1) @ sel_w2 + sel_b2)[..., 0]
    k_num = int(Tt * 1.0)
    _, idx = jax.lax.top_k(imp, k_num)
    selected = jnp.take_along_axis(key, idx[..., None], axis=1)
    # sliding window path (window_size=1): each query attends to exactly its own key
    Q = query @ wq + bq
    K = key @ wk + bk
    V = value @ wv + bv
    scores = jnp.sum(Q * K, axis=-1, keepdims=True) / math.sqrt(Hh)
    weights = jax.nn.softmax(scores[..., None], axis=-1)[..., 0]  # softmax over size-1 window -> ones
    window_out = weights * V
    return g_comp * compressed + g_sel * selected + g_win * window_out

if __name__ == "__main__":
    import jax
    _d = setup_inputs()
    print(jax.jit(kernel)(*tuple(_d.values())))

</pallas_src>

<mosaic_0001>
#map = affine_map<(d0, d1) -> (0, 0)>
#map1 = affine_map<(d0, d1) -> (0)>
module attributes {stable_mosaic.version = 14 : i64} {
  func.func @_sc_scatter(%arg0: i32, %arg1: i32, %arg2: memref<2048x1024xf32, #tpu.memory_space<hbm>>, %arg3: memref<2048xi32, #tpu.memory_space<hbm>>, %arg4: memref<2048x1024xf32, #tpu.memory_space<hbm>>, %arg5: memref<32xi32, #tpu.memory_space<vmem>>, %arg6: memref<32xi32, #tpu.memory_space<vmem>>, %arg7: memref<32x1024xf32, #tpu.memory_space<vmem>>, %arg8: memref<32x1024xf32, #tpu.memory_space<vmem>>, %arg9: memref<!tpu.dma_semaphore, #tpu.memory_space<semaphore_mem>>, %arg10: memref<!tpu.dma_semaphore, #tpu.memory_space<semaphore_mem>>) attributes {dimension_semantics = [#tpu.dimension_semantics<core_parallel>, #tpu.dimension_semantics<subcore_parallel>], iteration_bounds = array<i64: 2, 16>, scalar_prefetch = 0 : i64, scratch_operands = 6 : i64, tpu.core_type = #tpu.core_type<sc_vector_subcore>, window_params = [{transform_indices = #map}, {transform_indices = #map1}, {transform_indices = #map}]} {
    %mul3A = arith.constant 2 : i32
    %mul3A_0 = arith.muli %arg1, %mul3A : i32
    %add3A = arith.addi %mul3A_0, %arg0 : i32
    %mul3A_1 = arith.constant 64 : i32
    %mul3A_2 = arith.muli %add3A, %mul3A_1 : i32
    "tpu.region"() ({
      %run_scoped3A = tpu.sem_alloc : memref<!tpu.dma_semaphore, #tpu.memory_space<semaphore_mem>>
      %dma_start3A_33 = tpu.memref_slice %arg3[%mul3A_2] : memref<2048xi32, #tpu.memory_space<hbm>> -> memref<32xi32, #tpu.memory_space<hbm>>
      %dma_start3A_34 = tpu.memref_slice %arg3[%mul3A_2] : memref<2048xi32, #tpu.memory_space<hbm>> -> memref<32xi32, #tpu.memory_space<hbm>>
      tpu.enqueue_dma source(%dma_start3A_34 : memref<32xi32, #tpu.memory_space<hbm>>) target(%arg5 : memref<32xi32, #tpu.memory_space<vmem>>) target_semaphore(%run_scoped3A : memref<!tpu.dma_semaphore, #tpu.memory_space<semaphore_mem>>)
      %dma_wait3A_35 = tpu.memref_slice %arg3[%mul3A_2] : memref<2048xi32, #tpu.memory_space<hbm>> -> memref<32xi32, #tpu.memory_space<hbm>>
      %dma_wait3A_36 = tpu.memref_slice %arg3[%mul3A_2] : memref<2048xi32, #tpu.memory_space<hbm>> -> memref<32xi32, #tpu.memory_space<hbm>>
      tpu.wait_dma2 semaphore(%run_scoped3A : memref<!tpu.dma_semaphore, #tpu.memory_space<semaphore_mem>>) src(%dma_wait3A_36 : memref<32xi32, #tpu.memory_space<hbm>>) dst(%arg5 : memref<32xi32, #tpu.memory_space<vmem>>)
      tpu.yield
    }) : () -> ()
    %add3A_3 = arith.constant 32 : i32
    %add3A_4 = arith.addi %mul3A_2, %add3A_3 : i32
    "tpu.region"() ({
      %run_scoped3A = tpu.sem_alloc : memref<!tpu.dma_semaphore, #tpu.memory_space<semaphore_mem>>
      %dma_start3A_33 = tpu.memref_slice %arg3[%add3A_4] : memref<2048xi32, #tpu.memory_space<hbm>> -> memref<32xi32, #tpu.memory_space<hbm>>
      %dma_start3A_34 = tpu.memref_slice %arg3[%add3A_4] : memref<2048xi32, #tpu.memory_space<hbm>> -> memref<32xi32, #tpu.memory_space<hbm>>
      tpu.enqueue_dma source(%dma_start3A_34 : memref<32xi32, #tpu.memory_space<hbm>>) target(%arg6 : memref<32xi32, #tpu.memory_space<vmem>>) target_semaphore(%run_scoped3A : memref<!tpu.dma_semaphore, #tpu.memory_space<semaphore_mem>>)
      %dma_wait3A_35 = tpu.memref_slice %arg3[%add3A_4] : memref<2048xi32, #tpu.memory_space<hbm>> -> memref<32xi32, #tpu.memory_space<hbm>>
      %dma_wait3A_36 = tpu.memref_slice %arg3[%add3A_4] : memref<2048xi32, #tpu.memory_space<hbm>> -> memref<32xi32, #tpu.memory_space<hbm>>
      tpu.wait_dma2 semaphore(%run_scoped3A : memref<!tpu.dma_semaphore, #tpu.memory_space<semaphore_mem>>) src(%dma_wait3A_36 : memref<32xi32, #tpu.memory_space<hbm>>) dst(%arg6 : memref<32xi32, #tpu.memory_space<vmem>>)
      tpu.yield
    }) : () -> ()
    %dma_start3A = arith.constant 0 : i32
    %dma_start3A_5 = tpu.memref_slice %arg2[%mul3A_2, %dma_start3A] : memref<2048x1024xf32, #tpu.memory_space<hbm>> -> memref<32x1024xf32, #tpu.memory_space<hbm>>
    %dma_start3A_6 = arith.constant 0 : i32
    %dma_start3A_7 = tpu.memref_slice %arg2[%mul3A_2, %dma_start3A_6] : memref<2048x1024xf32, #tpu.memory_space<hbm>> -> memref<32x1024xf32, #tpu.memory_space<hbm>>
    tpu.enqueue_dma source(%dma_start3A_7 : memref<32x1024xf32, #tpu.memory_space<hbm>>) target(%arg7 : memref<32x1024xf32, #tpu.memory_space<vmem>>) target_semaphore(%arg9 : memref<!tpu.dma_semaphore, #tpu.memory_space<semaphore_mem>>)
    %dma_wait3A = arith.constant 0 : i32
    %dma_wait3A_8 = tpu.memref_slice %arg2[%mul3A_2, %dma_wait3A] : memref<2048x1024xf32, #tpu.memory_space<hbm>> -> memref<32x1024xf32, #tpu.memory_space<hbm>>
    %dma_wait3A_9 = arith.constant 0 : i32
    %dma_wait3A_10 = tpu.memref_slice %arg2[%mul3A_2, %dma_wait3A_9] : memref<2048x1024xf32, #tpu.memory_space<hbm>> -> memref<32x1024xf32, #tpu.memory_space<hbm>>
    tpu.wait_dma2 semaphore(%arg9 : memref<!tpu.dma_semaphore, #tpu.memory_space<semaphore_mem>>) src(%dma_wait3A_10 : memref<32x1024xf32, #tpu.memory_space<hbm>>) dst(%arg7 : memref<32x1024xf32, #tpu.memory_space<vmem>>)
    %dma_start3A_11 = arith.constant 0 : i32
    %dma_start3A_12 = arith.constant 0 : i32
    %dma_start3A_13 = tpu.memref_slice %arg4[%dma_start3A_11, %dma_start3A_12] : memref<2048x1024xf32, #tpu.memory_space<hbm>> -> memref<2048x1024xf32, #tpu.memory_space<hbm>>
    tpu.enqueue_indirect_dma source(%arg7 : memref<32x1024xf32, #tpu.memory_space<vmem>>) target(%dma_start3A_13 : memref<2048x1024xf32, #tpu.memory_space<hbm>>) offsets(%arg5 : memref<32xi32, #tpu.memory_space<vmem>>) semaphore(%arg10 : memref<!tpu.dma_semaphore, #tpu.memory_space<semaphore_mem>>)
    %add3A_14 = arith.constant 32 : i32
    %add3A_15 = arith.addi %mul3A_2, %add3A_14 : i32
    %dma_start3A_16 = arith.constant 0 : i32
    %dma_start3A_17 = tpu.memref_slice %arg2[%add3A_15, %dma_start3A_16] : memref<2048x1024xf32, #tpu.memory_space<hbm>> -> memref<32x1024xf32, #tpu.memory_space<hbm>>
    %dma_start3A_18 = arith.constant 0 : i32
    %dma_start3A_19 = tpu.memref_slice %arg2[%add3A_15, %dma_start3A_18] : memref<2048x1024xf32, #tpu.memory_space<hbm>> -> memref<32x1024xf32, #tpu.memory_space<hbm>>
    tpu.enqueue_dma source(%dma_start3A_19 : memref<32x1024xf32, #tpu.memory_space<hbm>>) target(%arg8 : memref<32x1024xf32, #tpu.memory_space<vmem>>) target_semaphore(%arg9 : memref<!tpu.dma_semaphore, #tpu.memory_space<semaphore_mem>>)
    %dma_wait3A_20 = arith.constant 0 : i32
    %dma_wait3A_21 = tpu.memref_slice %arg2[%add3A_15, %dma_wait3A_20] : memref<2048x1024xf32, #tpu.memory_space<hbm>> -> memref<32x1024xf32, #tpu.memory_space<hbm>>
    %dma_wait3A_22 = arith.constant 0 : i32
    %dma_wait3A_23 = tpu.memref_slice %arg2[%add3A_15, %dma_wait3A_22] : memref<2048x1024xf32, #tpu.memory_space<hbm>> -> memref<32x1024xf32, #tpu.memory_space<hbm>>
    tpu.wait_dma2 semaphore(%arg9 : memref<!tpu.dma_semaphore, #tpu.memory_space<semaphore_mem>>) src(%dma_wait3A_23 : memref<32x1024xf32, #tpu.memory_space<hbm>>) dst(%arg8 : memref<32x1024xf32, #tpu.memory_space<vmem>>)
    %dma_start3A_24 = arith.constant 0 : i32
    %dma_start3A_25 = arith.constant 0 : i32
    %dma_start3A_26 = tpu.memref_slice %arg4[%dma_start3A_24, %dma_start3A_25] : memref<2048x1024xf32, #tpu.memory_space<hbm>> -> memref<2048x1024xf32, #tpu.memory_space<hbm>>
    tpu.enqueue_indirect_dma source(%arg8 : memref<32x1024xf32, #tpu.memory_space<vmem>>) target(%dma_start3A_26 : memref<2048x1024xf32, #tpu.memory_space<hbm>>) offsets(%arg6 : memref<32xi32, #tpu.memory_space<vmem>>) semaphore(%arg10 : memref<!tpu.dma_semaphore, #tpu.memory_space<semaphore_mem>>)
    %dma_wait3A_27 = arith.constant 0 : i32
    %dma_wait3A_28 = arith.constant 0 : i32
    %dma_wait3A_29 = tpu.memref_slice %arg4[%dma_wait3A_27, %dma_wait3A_28] : memref<2048x1024xf32, #tpu.memory_space<hbm>> -> memref<2048x1024xf32, #tpu.memory_space<hbm>>
    tpu.wait_indirect_dma semaphore(%arg10 : memref<!tpu.dma_semaphore, #tpu.memory_space<semaphore_mem>>) src(%arg7 : memref<32x1024xf32, #tpu.memory_space<vmem>>) dst(%dma_wait3A_29 : memref<2048x1024xf32, #tpu.memory_space<hbm>>)
    %dma_wait3A_30 = arith.constant 0 : i32
    %dma_wait3A_31 = arith.constant 0 : i32
    %dma_wait3A_32 = tpu.memref_slice %arg4[%dma_wait3A_30, %dma_wait3A_31] : memref<2048x1024xf32, #tpu.memory_space<hbm>> -> memref<2048x1024xf32, #tpu.memory_space<hbm>>
    tpu.wait_indirect_dma semaphore(%arg10 : memref<!tpu.dma_semaphore, #tpu.memory_space<semaphore_mem>>) src(%arg8 : memref<32x1024xf32, #tpu.memory_space<vmem>>) dst(%dma_wait3A_32 : memref<2048x1024xf32, #tpu.memory_space<hbm>>)
    return
  }
}

module attributes {stable_mosaic.version = 14 : i64} {
  func.func @_stage_a(%arg0: i32, %arg1: memref<1024x1024xf32, #tpu.memory_space<vmem>>, %arg2: memref<1024x1024xf32, #tpu.memory_space<vmem>>, %arg3: memref<1x1024xf32, #tpu.memory_space<vmem>>, %arg4: memref<1024x128xf32, #tpu.memory_space<vmem>>, %arg5: memref<1x128xf32, #tpu.memory_space<vmem>>, %arg6: memref<1024x1024xf32, #tpu.memory_space<vmem>>, %arg7: memref<1x1024xf32, #tpu.memory_space<vmem>>, %arg8: memref<1024x1024xf32, #tpu.memory_space<vmem>>, %arg9: memref<1x1024xf32, #tpu.memory_space<vmem>>, %arg10: memref<1x1024xf32, #tpu.memory_space<vmem>>, %arg11: memref<1024x1024xbf16, #tpu.memory_space<vmem>>, %arg12: memref<1024x1xi32, #tpu.memory_space<vmem>>, %arg13: memref<2048x1xf32, #tpu.memory_space<vmem>>, %arg14: memref<2x1024xf32, #tpu.memory_space<vmem>>) attributes {dimension_semantics = [#tpu.dimension_semantics<arbitrary>], iteration_bounds = array<i64: 4>, scalar_prefetch = 0 : i64, scratch_operands = 2 : i64, tpu.core_type = #tpu.core_type<tc>, window_params = [{transform_indices = @transform_0, window_bounds = array<i64: 1024, 1024>}, {pipeline_mode = #tpu.pipeline_mode<synchronous>, transform_indices = @transform_1, window_bounds = array<i64: 1024, 1024>}, {pipeline_mode = #tpu.pipeline_mode<synchronous>, transform_indices = @transform_2, window_bounds = array<i64: 1, 1024>}, {pipeline_mode = #tpu.pipeline_mode<synchronous>, transform_indices = @transform_3, window_bounds = array<i64: 1024, 128>}, {pipeline_mode = #tpu.pipeline_mode<synchronous>, transform_indices = @transform_4, window_bounds = array<i64: 1, 128>}, {pipeline_mode = #tpu.pipeline_mode<synchronous>, transform_indices = @transform_5, window_bounds = array<i64: 1024, 1024>}, {pipeline_mode = #tpu.pipeline_mode<synchronous>, transform_indices = @transform_6, window_bounds = array<i64: 1, 1024>}, {pipeline_mode = #tpu.pipeline_mode<synchronous>, transform_indices = @transform_7, window_bounds = array<i64: 1024, 1024>}, {pipeline_mode = #tpu.pipeline_mode<synchronous>, transform_indices = @transform_8, window_bounds = array<i64: 1, 1024>}, {pipeline_mode = #tpu.pipeline_mode<synchronous>, transform_indices = @transform_9, window_bounds = array<i64: 1, 1024>}, {transform_indices = @transform_10, window_bounds = array<i64: 1024, 1024>}, {transform_indices = @transform_11, window_bounds = array<i64: 1024, 1>}]} {
    %lt3A = arith.constant 2 : i32
    %lt3A_0 = arith.cmpi slt, %arg0, %lt3A : i32
    %convert_element_type3A = arith.extui %lt3A_0 : i1 to i32
    %cond3A = arith.constant 0 : i32
    %cond3A_1 = arith.cmpi ne, %convert_element_type3A, %cond3A : i32
    scf.if %cond3A_1 {
      %get3A = arith.constant 0 : index
      %get3A_6 = arith.constant 0 : index
      %get3A_7 = vector.load %arg1[%get3A, %get3A_6] : memref<1024x1024xf32, #tpu.memory_space<vmem>>, vector<1024x1024xf32>
      %get3A_8 = arith.constant 0 : index
      %get3A_9 = arith.constant 0 : index
      %get3A_10 = vector.load %arg2[%get3A_8, %get3A_9] : memref<1024x1024xf32, #tpu.memory_space<vmem>>, vector<1024x1024xf32>
      %dot_general3A = arith.constant dense<0.000000e+00> : vector<1024x1024xf32>
      %dot_general3A_11 = tpu.matmul %get3A_7, %get3A_10, %dot_general3A {dimension_numbers = #tpu.dot_dimension_numbers<[1], [0], [0], [1], [0, 0, 1, 1], [], []>, transpose_lhs_hint = false} : vector<1024x1024xf32>, vector<1024x1024xf32>, vector<1024x1024xf32> -> vector<1024x1024xf32>
      %get3A_12 = arith.constant 0 : index
      %get3A_13 = arith.constant 0 : index
      %get3A_14 = vector.load %arg3[%get3A_12, %get3A_13] : memref<1x1024xf32, #tpu.memory_space<vmem>>, vector<1x1024xf32>
      %add3A = vector.broadcast %get3A_14 : vector<1x1024xf32> to vector<1024x1024xf32>
      %add3A_15 = arith.addf %dot_general3A_11, %add3A : vector<1024x1024xf32>
      %max3A = arith.constant 0.000000e+00 : f32
      %max3A_16 = vector.broadcast %max3A : f32 to vector<1024x1024xf32>
      %max3A_17 = arith.maximumf %add3A_15, %max3A_16 : vector<1024x1024xf32>
      %get3A_18 = arith.constant 0 : index
      %get3A_19 = arith.constant 0 : index
      %get3A_20 = vector.load %arg4[%get3A_18, %get3A_19] : memref<1024x128xf32, #tpu.memory_space<vmem>>, vector<1024x128xf32>
      %dot_general3A_21 = arith.constant dense<0.000000e+00> : vector<1024x128xf32>
      %dot_general3A_22 = tpu.matmul %max3A_17, %get3A_20, %dot_general3A_21 {dimension_numbers = #tpu.dot_dimension_numbers<[1], [0], [0], [1], [0, 0, 1, 1], [], []>, transpose_lhs_hint = false} : vector<1024x1024xf32>, vector<1024x128xf32>, vector<1024x128xf32> -> vector<1024x128xf32>
      %get3A_23 = arith.constant 0 : index
      %get3A_24 = arith.constant 0 : index
      %get3A_25 = vector.load %arg5[%get3A_23, %get3A_24] : memref<1x128xf32, #tpu.memory_space<vmem>>, vector<1x128xf32>
      %add3A_26 = vector.broadcast %get3A_25 : vector<1x128xf32> to vector<1024x128xf32>
      %add3A_27 = arith.addf %dot_general3A_22, %add3A_26 : vector<1024x128xf32>
      %slice3A = vector.extract_strided_slice %add3A_27 {offsets = [0, 0], sizes = [1024, 1], strides = [1, 1]} : vector<1024x128xf32> to vector<1024x1xf32>
      %mul3A = arith.constant 1024 : i32
      %mul3A_28 = arith.muli %arg0, %mul3A : i32
      %swap3A = arith.index_cast %mul3A_28 : i32 to index
      %swap3A_29 = arith.constant 0 : index
      %swap3A_30 = vector.load %arg13[%swap3A, %swap3A_29] : memref<2048x1xf32, #tpu.memory_space<vmem>>, vector<1024x1xf32>
      tpu.vector_store %arg13[%swap3A, %swap3A_29], %slice3A {strides = array<i32>} : memref<2048x1xf32, #tpu.memory_space<vmem>>, vector<1024x1xf32>,
      %iota3A = tpu.iota {dimensions = array<i32: 0>} : vector<1024x1024xi32>
      %iota3A_31 = tpu.iota {dimensions = array<i32: 1>} : vector<1024x1024xi32>
      %eq3A = arith.cmpi eq, %iota3A, %iota3A_31 : vector<1024x1024xi32>
      %jit3A = arith.constant 0 : i32
      %convert_element_type3A_32 = arith.sitofp %jit3A : i32 to f32
      %broadcast_in_dim3A = vector.shape_cast %slice3A : vector<1024x1xf32> to vector<1024x1xf32>
      %broadcast_in_dim3A_33 = vector.broadcast %broadcast_in_dim3A : vector<1024x1xf32> to vector<1024x1024xf32>
      %broadcast_in_dim3A_34 = vector.broadcast %convert_element_type3A_32 : f32 to vector<1024x1024xf32>
      %select_n3A = arith.select %eq3A, %broadcast_in_dim3A_33, %broadcast_in_dim3A_34 : vector<1024x1024xi1>, vector<1024x1024xf32>
      %reduce_sum3A = arith.constant dense<0.000000e+00> : vector<1024xf32>
      %reduce_sum3A_35 = vector.multi_reduction <add>, %select_n3A, %reduce_sum3A [0] : vector<1024x1024xf32> to vector<1024xf32>
      %broadcast_in_dim3A_36 = vector.shape_cast %reduce_sum3A_35 : vector<1024xf32> to vector<1x1024xf32>
      %swap3A_37 = arith.index_cast %arg0 : i32 to index
      %swap3A_38 = arith.constant 0 : index
      %swap3A_39 = vector.load %arg14[%swap3A_37, %swap3A_38] : memref<2x1024xf32, #tpu.memory_space<vmem>>, vector<1x1024xf32>
      tpu.vector_store %arg14[%swap3A_37, %swap3A_38], %broadcast_in_dim3A_36 {strides = array<i32>} : memref<2x1024xf32, #tpu.memory_space<vmem>>, vector<1x1024xf32>,
      %get3A_40 = arith.constant 0 : index
      %get3A_41 = arith.constant 0 : index
      %get3A_42 = vector.load %arg10[%get3A_40, %get3A_41] : memref<1x1024xf32, #tpu.memory_space<vmem>>, vector<1x1024xf32>
      %add3A_43 = vector.broadcast %get3A_42 : vector<1x1024xf32> to vector<1024x1024xf32>
      %add3A_44 = arith.addf %get3A_7, %add3A_43 : vector<1024x1024xf32>
      %get3A_45 = arith.constant 0 : index
      %get3A_46 = arith.constant 0 : index
      %get3A_47 = vector.load %arg6[%get3A_45, %get3A_46] : memref<1024x1024xf32, #tpu.memory_space<vmem>>, vector<1024x1024xf32>
      %dot_general3A_48 = arith.constant dense<0.000000e+00> : vector<1024x1024xf32>
      %dot_general3A_49 = tpu.matmul %add3A_44, %get3A_47, %dot_general3A_48 {dimension_numbers = #tpu.dot_dimension_numbers<[1], [0], [0], [1], [0, 0, 1, 1], [], []>, transpose_lhs_hint = false} : vector<1024x1024xf32>, vector<1024x1024xf32>, vector<1024x1024xf32> -> vector<1024x1024xf32>
      %get3A_50 = arith.constant 0 : index
      %get3A_51 = arith.constant 0 : index
      %get3A_52 = vector.load %arg7[%get3A_50, %get3A_51] : memref<1x1024xf32, #tpu.memory_space<vmem>>, vector<1x1024xf32>
      %add3A_53 = vector.broadcast %get3A_52 : vector<1x1024xf32> to vector<1024x1024xf32>
      %add3A_54 = arith.addf %dot_general3A_49, %add3A_53 : vector<1024x1024xf32>
      %logistic3A = arith.negf %add3A_54 : vector<1024x1024xf32>
      %logistic3A_55 = math.exp %logistic3A : vector<1024x1024xf32>
      %logistic3A_56 = arith.constant 1.000000e+00 : f32
      %logistic3A_57 = vector.broadcast %logistic3A_56 : f32 to vector<1024x1024xf32>
      %logistic3A_58 = arith.addf %logistic3A_57, %logistic3A_55 : vector<1024x1024xf32>
      %logistic3A_59 = arith.divf %logistic3A_57, %logistic3A_58 : vector<1024x1024xf32>
      %get3A_60 = arith.constant 0 : index
      %get3A_61 = arith.constant 0 : index
      %get3A_62 = vector.load %arg8[%get3A_60, %get3A_61] : memref<1024x1024xf32, #tpu.memory_space<vmem>>, vector<1024x1024xf32>
      %dot_general3A_63 = arith.constant dense<0.000000e+00> : vector<1024x1024xf32>
      %dot_general3A_64 = tpu.matmul %logistic3A_59, %get3A_62, %dot_general3A_63 {dimension_numbers = #tpu.dot_dimension_numbers<[1], [0], [0], [1], [0, 0, 1, 1], [], []>, transpose_lhs_hint = false} : vector<1024x1024xf32>, vector<1024x1024xf32>, vector<1024x1024xf32> -> vector<1024x1024xf32>
      %get3A_65 = arith.constant 0 : index
      %get3A_66 = arith.constant 0 : index
      %get3A_67 = vector.load %arg9[%get3A_65, %get3A_66] : memref<1x1024xf32, #tpu.memory_space<vmem>>, vector<1x1024xf32>
      %add3A_68 = vector.broadcast %get3A_67 : vector<1x1024xf32> to vector<1024x1024xf32>
      %add3A_69 = arith.addf %dot_general3A_64, %add3A_68 : vector<1024x1024xf32>
      %convert_element_type3A_70 = arith.truncf %add3A_69 : vector<1024x1024xf32> to vector<1024x1024xbf16>
      %swap3A_71 = arith.constant 0 : index
      %swap3A_72 = arith.constant 0 : index
      %swap3A_73 = vector.load %arg11[%swap3A_71, %swap3A_72] : memref<1024x1024xbf16, #tpu.memory_space<vmem>>, vector<1024x1024xbf16>
      tpu.vector_store %arg11[%swap3A_71, %swap3A_72], %convert_element_type3A_70 {strides = array<i32>} : memref<1024x1024xbf16, #tpu.memory_space<vmem>>, vector<1024x1024xbf16>,
    } else {
    }
    %ge3A = arith.constant 2 : i32
    %ge3A_2 = arith.cmpi sge, %arg0, %ge3A : i32
    %convert_element_type3A_3 = arith.extui %ge3A_2 : i1 to i32
    %cond3A_4 = arith.constant 0 : i32
    %cond3A_5 = arith.cmpi ne, %convert_element_type3A_3, %cond3A_4 : i32
    scf.if %cond3A_5 {
      %sub3A = arith.constant 2 : i32
      %sub3A_6 = arith.subi %arg0, %sub3A : i32
      %mul3A = arith.constant 1024 : i32
      %mul3A_7 = arith.muli %sub3A_6, %mul3A : i32
      %get3A = arith.index_cast %mul3A_7 : i32 to index
      %get3A_8 = arith.constant 0 : index
      %get3A_9 = vector.load %arg13[%get3A, %get3A_8] : memref<2048x1xf32, #tpu.memory_space<vmem>>, vector<1024x1xf32>
      %mul3A_10 = arith.constant 1024 : i32
      %mul3A_11 = arith.muli %sub3A_6, %mul3A_10 : i32
      %iota3A = tpu.iota {dimensions = array<i32: 0>} : vector<1024x1024xi32>
      %add3A = vector.broadcast %mul3A_11 : i32 to vector<1024x1024xi32>
      %add3A_12 = arith.addi %add3A, %iota3A : vector<1024x1024xi32>
      %broadcast_in_dim3A = arith.constant 0 : i32
      %broadcast_in_dim3A_13 = vector.broadcast %broadcast_in_dim3A : i32 to vector<1024x1xi32>
      %get3A_14 = arith.constant 0 : index
      %get3A_15 = arith.constant 0 : index
      %get3A_16 = vector.load %arg14[%get3A_14, %get3A_15] : memref<2x1024xf32, #tpu.memory_space<vmem>>, vector<1x1024xf32>
      %gt3A = vector.broadcast %get3A_16 : vector<1x1024xf32> to vector<1024x1024xf32>
      %gt3A_17 = vector.broadcast %get3A_9 : vector<1024x1xf32> to vector<1024x1024xf32>
      %gt3A_18 = arith.cmpf ogt, %gt3A, %gt3A_17 : vector<1024x1024xf32>
      %convert_element_type3A_19 = arith.extui %gt3A_18 : vector<1024x1024xi1> to vector<1024x1024xi32>
      %eq3A = vector.broadcast %get3A_16 : vector<1x1024xf32> to vector<1024x1024xf32>
      %eq3A_20 = vector.broadcast %get3A_9 : vector<1024x1xf32> to vector<1024x1024xf32>
      %eq3A_21 = arith.cmpf oeq, %eq3A, %eq3A_20 : vector<1024x1024xf32>
      %iota3A_22 = tpu.iota {dimensions = array<i32: 1>} : vector<1024x1024xi32>
      %add3A_23 = arith.constant 0 : i32
      %add3A_24 = vector.broadcast %add3A_23 : i32 to vector<1024x1024xi32>
      %add3A_25 = arith.addi %add3A_24, %iota3A_22 : vector<1024x1024xi32>
      %lt3A_26 = arith.cmpi slt, %add3A_25, %add3A_12 : vector<1024x1024xi32>
      %and3A = arith.andi %eq3A_21, %lt3A_26 : vector<1024x1024xi1>
      %jit3A = arith.constant 1 : i32
      %jit3A_27 = arith.constant 0 : i32
      %broadcast_in_dim3A_28 = vector.broadcast %jit3A : i32 to vector<1024x1024xi32>
      %broadcast_in_dim3A_29 = vector.broadcast %jit3A_27 : i32 to vector<1024x1024xi32>
      %select_n3A = arith.select %and3A, %broadcast_in_dim3A_28, %broadcast_in_dim3A_29 : vector<1024x1024xi1>, vector<1024x1024xi32>
      %add3A_30 = arith.addi %convert_element_type3A_19, %select_n3A : vector<1024x1024xi32>
      %reduce_sum3A = arith.constant dense<0> : vector<1024xi32>
      %reduce_sum3A_31 = vector.multi_reduction <add>, %add3A_30, %reduce_sum3A [1] : vector<1024x1024xi32> to vector<1024xi32>
      %broadcast_in_dim3A_32 = vector.shape_cast %reduce_sum3A_31 : vector<1024xi32> to vector<1024x1xi32>
      %add3A_33 = arith.addi %broadcast_in_dim3A_13, %broadcast_in_dim3A_32 : vector<1024x1xi32>
      %get3A_34 = arith.constant 1 : index
      %get3A_35 = arith.constant 0 : index
      %get3A_36 = vector.load %arg14[%get3A_34, %get3A_35] : memref<2x1024xf32, #tpu.memory_space<vmem>>, vector<1x1024xf32>
      %gt3A_37 = vector.broadcast %get3A_36 : vector<1x1024xf32> to vector<1024x1024xf32>
      %gt3A_38 = vector.broadcast %get3A_9 : vector<1024x1xf32> to vector<1024x1024xf32>
      %gt3A_39 = arith.cmpf ogt, %gt3A_37, %gt3A_38 : vector<1024x1024xf32>
      %convert_element_type3A_40 = arith.extui %gt3A_39 : vector<1024x1024xi1> to vector<1024x1024xi32>
      %eq3A_41 = vector.broadcast %get3A_36 : vector<1x1024xf32> to vector<1024x1024xf32>
      %eq3A_42 = vector.broadcast %get3A_9 : vector<1024x1xf32> to vector<1024x1024xf32>
      %eq3A_43 = arith.cmpf oeq, %eq3A_41, %eq3A_42 : vector<1024x1024xf32>
      %iota3A_44 = tpu.iota {dimensions = array<i32: 1>} : vector<1024x1024xi32>
      %add3A_45 = arith.constant 1024 : i32
      %add3A_46 = vector.broadcast %add3A_45 : i32 to vector<1024x1024xi32>
      %add3A_47 = arith.addi %add3A_46, %iota3A_44 : vector<1024x1024xi32>
      %lt3A_48 = arith.cmpi slt, %add3A_47, %add3A_12 : vector<1024x1024xi32>
      %and3A_49 = arith.andi %eq3A_43, %lt3A_48 : vector<1024x1024xi1>
      %jit3A_50 = arith.constant 1 : i32
      %jit3A_51 = arith.constant 0 : i32
      %broadcast_in_dim3A_52 = vector.broadcast %jit3A_50 : i32 to vector<1024x1024xi32>
      %broadcast_in_dim3A_53 = vector.broadcast %jit3A_51 : i32 to vector<1024x1024xi32>
      %select_n3A_54 = arith.select %and3A_49, %broadcast_in_dim3A_52, %broadcast_in_dim3A_53 : vector<1024x1024xi1>, vector<1024x1024xi32>
      %add3A_55 = arith.addi %convert_element_type3A_40, %select_n3A_54 : vector<1024x1024xi32>
      %reduce_sum3A_56 = arith.constant dense<0> : vector<1024xi32>
      %reduce_sum3A_57 = vector.multi_reduction <add>, %add3A_55, %reduce_sum3A_56 [1] : vector<1024x1024xi32> to vector<1024xi32>
      %broadcast_in_dim3A_58 = vector.shape_cast %reduce_sum3A_57 : vector<1024xi32> to vector<1024x1xi32>
      %add3A_59 = arith.addi %add3A_33, %broadcast_in_dim3A_58 : vector<1024x1xi32>
      %swap3A = arith.constant 0 : index
      %swap3A_60 = arith.constant 0 : index
      %swap3A_61 = vector.load %arg12[%swap3A, %swap3A_60] : memref<1024x1xi32, #tpu.memory_space<vmem>>, vector<1024x1xi32>
      tpu.vector_store %arg12[%swap3A, %swap3A_60], %add3A_59 {strides = array<i32>} : memref<1024x1xi32, #tpu.memory_space<vmem>>, vector<1024x1xi32>,
    } else {
    }
    return
  }
  func.func @transform_0(%arg0: i32) -> (i32, i32) {
    %min3A = arith.constant 1 : i32
    %min3A_0 = arith.minsi %arg0, %min3A : i32
    %c0_i32 = arith.constant 0 : i32
    %c0_i32_1 = arith.constant 0 : i32
    return %min3A_0, %c0_i32 : i32, i32
  }
  func.func @transform_1(%arg0: i32) -> (i32, i32) {
    %c0_i32 = arith.constant 0 : i32
    %c0_i32_0 = arith.constant 0 : i32
    %c0_i32_1 = arith.constant 0 : i32
    return %c0_i32, %c0_i32_0 : i32, i32
  }
  func.func @transform_2(%arg0: i32) -> (i32, i32) {
    %c0_i32 = arith.constant 0 : i32
    %c0_i32_0 = arith.constant 0 : i32
    %c0_i32_1 = arith.constant 0 : i32
    return %c0_i32, %c0_i32_0 : i32, i32
  }
  func.func @transform_3(%arg0: i32) -> (i32, i32) {
    %c0_i32 = arith.constant 0 : i32
    %c0_i32_0 = arith.constant 0 : i32
    %c0_i32_1 = arith.constant 0 : i32
    return %c0_i32, %c0_i32_0 : i32, i32
  }
  func.func @transform_4(%arg0: i32) -> (i32, i32) {
    %c0_i32 = arith.constant 0 : i32
    %c0_i32_0 = arith.constant 0 : i32
    %c0_i32_1 = arith.constant 0 : i32
    return %c0_i32, %c0_i32_0 : i32, i32
  }
  func.func @transform_5(%arg0: i32) -> (i32, i32) {
    %c0_i32 = arith.constant 0 : i32
    %c0_i32_0 = arith.constant 0 : i32
    %c0_i32_1 = arith.constant 0 : i32
    return %c0_i32, %c0_i32_0 : i32, i32
  }
  func.func @transform_6(%arg0: i32) -> (i32, i32) {
    %c0_i32 = arith.constant 0 : i32
    %c0_i32_0 = arith.constant 0 : i32
    %c0_i32_1 = arith.constant 0 : i32
    return %c0_i32, %c0_i32_0 : i32, i32
  }
  func.func @transform_7(%arg0: i32) -> (i32, i32) {
    %c0_i32 = arith.constant 0 : i32
    %c0_i32_0 = arith.constant 0 : i32
    %c0_i32_1 = arith.constant 0 : i32
    return %c0_i32, %c0_i32_0 : i32, i32
  }
  func.func @transform_8(%arg0: i32) -> (i32, i32) {
    %c0_i32 = arith.constant 0 : i32
    %c0_i32_0 = arith.constant 0 : i32
    %c0_i32_1 = arith.constant 0 : i32
    return %c0_i32, %c0_i32_0 : i32, i32
  }
  func.func @transform_9(%arg0: i32) -> (i32, i32) {
    %c0_i32 = arith.constant 0 : i32
    %c0_i32_0 = arith.constant 0 : i32
    %c0_i32_1 = arith.constant 0 : i32
    return %c0_i32, %c0_i32_0 : i32, i32
  }
  func.func @transform_10(%arg0: i32) -> (i32, i32) {
    %min3A = arith.constant 1 : i32
    %min3A_0 = arith.minsi %arg0, %min3A : i32
    %c0_i32 = arith.constant 0 : i32
    %c0_i32_1 = arith.constant 0 : i32
    return %min3A_0, %c0_i32 : i32, i32
  }
  func.func @transform_11(%arg0: i32) -> (i32, i32) {
    %lt3A = arith.constant 2 : i32
    %lt3A_0 = arith.cmpi slt, %arg0, %lt3A : i32
    %sub3A = arith.constant 2 : i32
    %sub3A_1 = arith.subi %arg0, %sub3A : i32
    %jit3A = arith.constant 0 : i32
    %select_n3A = arith.select %lt3A_0, %jit3A, %sub3A_1 : i32
    %c0_i32 = arith.constant 0 : i32
    %c0_i32_2 = arith.constant 0 : i32
    return %select_n3A, %c0_i32 : i32, i32
  }
}

module attributes {stable_mosaic.version = 14 : i64} {
  func.func @_stage_b(%arg0: i32, %arg1: memref<1024x1024xf32, #tpu.memory_space<vmem>>, %arg2: memref<1024x1024xf32, #tpu.memory_space<vmem>>, %arg3: memref<1024x1024xf32, #tpu.memory_space<vmem>>, %arg4: memref<1x1024xf32, #tpu.memory_space<vmem>>, %arg5: memref<1024x128xf32, #tpu.memory_space<vmem>>, %arg6: memref<1x128xf32, #tpu.memory_space<vmem>>, %arg7: memref<1024x1024xf32, #tpu.memory_space<vmem>>, %arg8: memref<1x1024xf32, #tpu.memory_space<vmem>>, %arg9: memref<1024x1024xbf16, #tpu.memory_space<vmem>>, %arg10: memref<1024x1024xf32, #tpu.memory_space<vmem>>, %arg11: memref<1024x1024xf32, #tpu.memory_space<vmem>>) attributes {dimension_semantics = [#tpu.dimension_semantics<arbitrary>], iteration_bounds = array<i64: 2>, scalar_prefetch = 0 : i64, scratch_operands = 0 : i64, tpu.core_type = #tpu.core_type<tc>, window_params = [{transform_indices = @transform_0, window_bounds = array<i64: 1024, 1024>}, {transform_indices = @transform_1, window_bounds = array<i64: 1024, 1024>}, {pipeline_mode = #tpu.pipeline_mode<synchronous>, transform_indices = @transform_2, window_bounds = array<i64: 1024, 1024>}, {pipeline_mode = #tpu.pipeline_mode<synchronous>, transform_indices = @transform_3, window_bounds = array<i64: 1, 1024>}, {pipeline_mode = #tpu.pipeline_mode<synchronous>, transform_indices = @transform_4, window_bounds = array<i64: 1024, 128>}, {pipeline_mode = #tpu.pipeline_mode<synchronous>, transform_indices = @transform_5, window_bounds = array<i64: 1, 128>}, {pipeline_mode = #tpu.pipeline_mode<synchronous>, transform_indices = @transform_6, window_bounds = array<i64: 1024, 1024>}, {pipeline_mode = #tpu.pipeline_mode<synchronous>, transform_indices = @transform_7, window_bounds = array<i64: 1, 1024>}, {transform_indices = @transform_8, window_bounds = array<i64: 1024, 1024>}, {transform_indices = @transform_9, window_bounds = array<i64: 1024, 1024>}, {transform_indices = @transform_10, window_bounds = array<i64: 1024, 1024>}]} {
    %get3A = arith.constant 0 : index
    %get3A_0 = arith.constant 0 : index
    %get3A_1 = vector.load %arg1[%get3A, %get3A_0] : memref<1024x1024xf32, #tpu.memory_space<vmem>>, vector<1024x1024xf32>
    %get3A_2 = arith.constant 0 : index
    %get3A_3 = arith.constant 0 : index
    %get3A_4 = vector.load %arg3[%get3A_2, %get3A_3] : memref<1024x1024xf32, #tpu.memory_space<vmem>>, vector<1024x1024xf32>
    %dot_general3A = arith.constant dense<0.000000e+00> : vector<1024x1024xf32>
    %dot_general3A_5 = tpu.matmul %get3A_1, %get3A_4, %dot_general3A {dimension_numbers = #tpu.dot_dimension_numbers<[1], [0], [0], [1], [0, 0, 1, 1], [], []>, transpose_lhs_hint = false} : vector<1024x1024xf32>, vector<1024x1024xf32>, vector<1024x1024xf32> -> vector<1024x1024xf32>
    %get3A_6 = arith.constant 0 : index
    %get3A_7 = arith.constant 0 : index
    %get3A_8 = vector.load %arg4[%get3A_6, %get3A_7] : memref<1x1024xf32, #tpu.memory_space<vmem>>, vector<1x1024xf32>
    %add3A = vector.broadcast %get3A_8 : vector<1x1024xf32> to vector<1024x1024xf32>
    %add3A_9 = arith.addf %dot_general3A_5, %add3A : vector<1024x1024xf32>
    %max3A = arith.constant 0.000000e+00 : f32
    %max3A_10 = vector.broadcast %max3A : f32 to vector<1024x1024xf32>
    %max3A_11 = arith.maximumf %add3A_9, %max3A_10 : vector<1024x1024xf32>
    %get3A_12 = arith.constant 0 : index
    %get3A_13 = arith.constant 0 : index
    %get3A_14 = vector.load %arg5[%get3A_12, %get3A_13] : memref<1024x128xf32, #tpu.memory_space<vmem>>, vector<1024x128xf32>
    %dot_general3A_15 = arith.constant dense<0.000000e+00> : vector<1024x128xf32>
    %dot_general3A_16 = tpu.matmul %max3A_11, %get3A_14, %dot_general3A_15 {dimension_numbers = #tpu.dot_dimension_numbers<[1], [0], [0], [1], [0, 0, 1, 1], [], []>, transpose_lhs_hint = false} : vector<1024x1024xf32>, vector<1024x128xf32>, vector<1024x128xf32> -> vector<1024x128xf32>
    %get3A_17 = arith.constant 0 : index
    %get3A_18 = arith.constant 0 : index
    %get3A_19 = vector.load %arg6[%get3A_17, %get3A_18] : memref<1x128xf32, #tpu.memory_space<vmem>>, vector<1x128xf32>
    %add3A_20 = vector.broadcast %get3A_19 : vector<1x128xf32> to vector<1024x128xf32>
    %add3A_21 = arith.addf %dot_general3A_16, %add3A_20 : vector<1024x128xf32>
    %logistic3A = arith.negf %add3A_21 : vector<1024x128xf32>
    %logistic3A_22 = math.exp %logistic3A : vector<1024x128xf32>
    %logistic3A_23 = arith.constant 1.000000e+00 : f32
    %logistic3A_24 = vector.broadcast %logistic3A_23 : f32 to vector<1024x128xf32>
    %logistic3A_25 = arith.addf %logistic3A_24, %logistic3A_22 : vector<1024x128xf32>
    %logistic3A_26 = arith.divf %logistic3A_24, %logistic3A_25 : vector<1024x128xf32>
    %get3A_27 = arith.constant 0 : index
    %get3A_28 = arith.constant 0 : index
    %get3A_29 = vector.load %arg2[%get3A_27, %get3A_28] : memref<1024x1024xf32, #tpu.memory_space<vmem>>, vector<1024x1024xf32>
    %get3A_30 = arith.constant 0 : index
    %get3A_31 = arith.constant 0 : index
    %get3A_32 = vector.load %arg7[%get3A_30, %get3A_31] : memref<1024x1024xf32, #tpu.memory_space<vmem>>, vector<1024x1024xf32>
    %dot_general3A_33 = arith.constant dense<0.000000e+00> : vector<1024x1024xf32>
    %dot_general3A_34 = tpu.matmul %get3A_29, %get3A_32, %dot_general3A_33 {dimension_numbers = #tpu.dot_dimension_numbers<[1], [0], [0], [1], [0, 0, 1, 1], [], []>, transpose_lhs_hint = false} : vector<1024x1024xf32>, vector<1024x1024xf32>, vector<1024x1024xf32> -> vector<1024x1024xf32>
    %get3A_35 = arith.constant 0 : index
    %get3A_36 = arith.constant 0 : index
    %get3A_37 = vector.load %arg8[%get3A_35, %get3A_36] : memref<1x1024xf32, #tpu.memory_space<vmem>>, vector<1x1024xf32>
    %add3A_38 = vector.broadcast %get3A_37 : vector<1x1024xf32> to vector<1024x1024xf32>
    %add3A_39 = arith.addf %dot_general3A_34, %add3A_38 : vector<1024x1024xf32>
    %slice3A = vector.extract_strided_slice %logistic3A_26 {offsets = [0, 0], sizes = [1024, 1], strides = [1, 1]} : vector<1024x128xf32> to vector<1024x1xf32>
    %get3A_40 = arith.constant 0 : index
    %get3A_41 = arith.constant 0 : index
    %get3A_42 = vector.load %arg9[%get3A_40, %get3A_41] : memref<1024x1024xbf16, #tpu.memory_space<vmem>>, vector<1024x1024xbf16>
    %convert_element_type3A = arith.extf %get3A_42 : vector<1024x1024xbf16> to vector<1024x1024xf32>
    %mul3A = vector.broadcast %slice3A : vector<1024x1xf32> to vector<1024x1024xf32>
    %mul3A_43 = arith.mulf %mul3A, %convert_element_type3A : vector<1024x1024xf32>
    %slice3A_44 = vector.extract_strided_slice %logistic3A_26 {offsets = [0, 1], sizes = [1024, 1], strides = [1, 1]} : vector<1024x128xf32> to vector<1024x1xf32>
    %get3A_45 = arith.constant 0 : index
    %get3A_46 = arith.constant 0 : index
    %get3A_47 = vector.load %arg10[%get3A_45, %get3A_46] : memref<1024x1024xf32, #tpu.memory_space<vmem>>, vector<1024x1024xf32>
    %mul3A_48 = vector.broadcast %slice3A_44 : vector<1024x1xf32> to vector<1024x1024xf32>
    %mul3A_49 = arith.mulf %mul3A_48, %get3A_47 : vector<1024x1024xf32>
    %add3A_50 = arith.addf %mul3A_43, %mul3A_49 : vector<1024x1024xf32>
    %slice3A_51 = vector.extract_strided_slice %logistic3A_26 {offsets = [0, 2], sizes = [1024, 1], strides = [1, 1]} : vector<1024x128xf32> to vector<1024x1xf32>
    %mul3A_52 = vector.broadcast %slice3A_51 : vector<1024x1xf32> to vector<1024x1024xf32>
    %mul3A_53 = arith.mulf %mul3A_52, %add3A_39 : vector<1024x1024xf32>
    %add3A_54 = arith.addf %add3A_50, %mul3A_53 : vector<1024x1024xf32>
    %swap3A = arith.constant 0 : index
    %swap3A_55 = arith.constant 0 : index
    %swap3A_56 = vector.load %arg11[%swap3A, %swap3A_55] : memref<1024x1024xf32, #tpu.memory_space<vmem>>, vector<1024x1024xf32>
    tpu.vector_store %arg11[%swap3A, %swap3A_55], %add3A_54 {strides = array<i32>} : memref<1024x1024xf32, #tpu.memory_space<vmem>>, vector<1024x1024xf32>,
    return
  }
  func.func @transform_0(%arg0: i32) -> (i32, i32) {
    %c0_i32 = arith.constant 0 : i32
    %c0_i32_0 = arith.constant 0 : i32
    return %arg0, %c0_i32 : i32, i32
  }
  func.func @transform_1(%arg0: i32) -> (i32, i32) {
    %c0_i32 = arith.constant 0 : i32
    %c0_i32_0 = arith.constant 0 : i32
    return %arg0, %c0_i32 : i32, i32
  }
  func.func @transform_2(%arg0: i32) -> (i32, i32) {
    %c0_i32 = arith.constant 0 : i32
    %c0_i32_0 = arith.constant 0 : i32
    %c0_i32_1 = arith.constant 0 : i32
    return %c0_i32, %c0_i32_0 : i32, i32
  }
  func.func @transform_3(%arg0: i32) -> (i32, i32) {
    %c0_i32 = arith.constant 0 : i32
    %c0_i32_0 = arith.constant 0 : i32
    %c0_i32_1 = arith.constant 0 : i32
    return %c0_i32, %c0_i32_0 : i32, i32
  }
  func.func @transform_4(%arg0: i32) -> (i32, i32) {
    %c0_i32 = arith.constant 0 : i32
    %c0_i32_0 = arith.constant 0 : i32
    %c0_i32_1 = arith.constant 0 : i32
    return %c0_i32, %c0_i32_0 : i32, i32
  }
  func.func @transform_5(%arg0: i32) -> (i32, i32) {
    %c0_i32 = arith.constant 0 : i32
    %c0_i32_0 = arith.constant 0 : i32
    %c0_i32_1 = arith.constant 0 : i32
    return %c0_i32, %c0_i32_0 : i32, i32
  }
  func.func @transform_6(%arg0: i32) -> (i32, i32) {
    %c0_i32 = arith.constant 0 : i32
    %c0_i32_0 = arith.constant 0 : i32
    %c0_i32_1 = arith.constant 0 : i32
    return %c0_i32, %c0_i32_0 : i32, i32
  }
  func.func @transform_7(%arg0: i32) -> (i32, i32) {
    %c0_i32 = arith.constant 0 : i32
    %c0_i32_0 = arith.constant 0 : i32
    %c0_i32_1 = arith.constant 0 : i32
    return %c0_i32, %c0_i32_0 : i32, i32
  }
  func.func @transform_8(%arg0: i32) -> (i32, i32) {
    %c0_i32 = arith.constant 0 : i32
    %c0_i32_0 = arith.constant 0 : i32
    return %arg0, %c0_i32 : i32, i32
  }
  func.func @transform_9(%arg0: i32) -> (i32, i32) {
    %c0_i32 = arith.constant 0 : i32
    %c0_i32_0 = arith.constant 0 : i32
    return %arg0, %c0_i32 : i32, i32
  }
  func.func @transform_10(%arg0: i32) -> (i32, i32) {
    %c0_i32 = arith.constant 0 : i32
    %c0_i32_0 = arith.constant 0 : i32
    return %arg0, %c0_i32 : i32, i32
  }
}

</mosaic_0001>

<sc_bundles>
// kernel: kernel.5.cloned.1.call-start
scs
__scs_entry_jumppad:
0x0: {  	(pc) =	sbr.rel $0x88, $3  }
0x1: {  	(tag) =	ssettag $0x0;
	lr =	simm.s32 $0x1  }
0x2: {  	[smem:$0x3F8F] =	sst lr;
	_ =	strace $0xD0000000  }
0x3: {  	_ = 	snop  }
0x4: {  	_ = 	snop  }
0x5: {  	_ = 	snop  }
0x6: {  	_ = 	snop  }
0x7: {  	_ = 	snop  }
__scs_overlays_trampoline_lowered:
0x8: {  	[smem:$0x3F9E] =	sst s0  }
0x9: {  	[smem:$0x3F9F] =	sst s1  }
0xa: {  	[smem:$0x3FA0] =	sst s2  }
0xb: {  	[smem:$0x3FA1] =	sst s3  }
0xc: {  	[smem:$0x3FA2] =	sst s4  }
0xd: {  	[smem:$0x3FA3] =	sst s5  }
0xe: {  	[smem:$0x3FA4] =	sst s6  }
0xf: {  	[smem:$0x3FA5] =	sst s7  }
0x10: {  	[smem:$0x3FA6] =	sst s8  }
0x11: {  	[smem:$0x3FA7] =	sst s9;
	s0 =	simm.s32 @!p0 $0x0  }
0x12: {  	s1 =	sld [smem:$0x3F8D];
	s0 =	simm.s32 @p0 $0x1  }
0x13: {  	[smem:$0x3FA8] =	sst s0;
	s0 =	simm.s32 @!p1 $0x0  }
0x14: {  	s2 =	sld [smem:$0x3F8C];
	s0 =	simm.s32 @p1 $0x1  }
0x15: {  	[smem:$0x3FA9] =	sst s0;
	s0 =	simm.s32 @!p2 $0x0  }
0x16: {  	s3 =	sld [smem:$0x3FDB];
	s0 =	simm.s32 @p2 $0x1  }
0x17: {  	s4 =	simm.s32 $0x1BF5;
	[smem:$0x3FAB] =	sst s0  }
0x18: {  	s0 =	sld [smem:$0x3F8E];
	_ =	swait.ge [sflag:s4], $0x0  }
0x19: {  	s7 =	sld [smem:$0x3F8F]  }
0x1a: {  	s8 =	sadd.s32 $0xFFFFE003, lr  }
0x1b: {  	s9 =	sadd.s32 $0xFFFFFEF7, lr;
	s5 =	simm.s32 $0xFFFFFFFF;
	p2 =	slt.u32 s8, $0xFFFFF086  }
0x1c: {  	p1 =	slt.u32 s9, $0xF7A;
	s5 =	simm.s32 @!p2 $0x0  }
0x1d: {  	s5 =	simm.s32 @p1 $0x1;
	p0 =	seq.s32 s7, s2  }
0x1e: {  	s7 =	smul.u32 @!p0 $0xF7A, s2;
	p2 =	seq.s32 @!p0 s5, $0x0  }
0x1f: {  	s9 =	smul.u32 $0xF7A, s1;
	s8 =	simm.s32 @!p0 $0x1BF5;
	p2 =	por !p2, p0  }
0x20: {  	[sflag:s8] =	ssyncset.s32 @!p0 $0xFFFFF086;
	s6 =	sadd.s32 @!p0 s3, s7;
	s7 =	simm.s32 @!p0 $0x108  }
0x21: {  	s3 =	sadd.s32 s3, s9;
	s6 =	sadd.s32 @!p0 $0x88, s6;
	s7 =	simm.s32 @p2 $0x1082  }
0x22: {  	[simem:s7], [sflag:s8] =	dma.local @!p0 [hbm:s6], $0xF7A  }
0x23: {  	s9 =	sor.u32 $0xD0000000, s2;
	s6 =	simm.s32 $0x108;
	_ =	swait.ge @!p0 [sflag:s8], $0x0  }
0x24: {  	s3 =	sadd.s32 $0x88, s3;
	s6 =	simm.s32 @!p1 $0x1082;
	[sflag:s4] =	ssyncset.s32 $0xFFFFF086  }
0x25: {  	[simem:s6], [sflag:s4] =	dma.local [hbm:s3], $0xF7A  }
0x26: {  	[smem:$0x3F8F] =	sst s1;
	(tag) =	ssettag s2;
	_ =	strace s9  }
0x27: {  	s1 =	sld [smem:$0x3F9F]  }
0x28: {  	s2 =	sld [smem:$0x3FA0]  }
0x29: {  	s4 =	sld [smem:$0x3FA2]  }
0x2a: {  	p0 =	seq.s32 s5, $0x0;
	s5 =	sld [smem:$0x3FA3]  }
0x2b: {  	s6 =	sld [smem:$0x3FA4]  }
0x2c: {  	s7 =	sld [smem:$0x3FA5]  }
0x2d: {  	s3 =	simm.s32 $0x108;
	s8 =	sld [smem:$0x3FA6]  }
0x2e: {  	s3 =	simm.s32 @!p0 $0x1082;
	s9 =	sld [smem:$0x3FA7]  }
0x2f: {  	lr =	sadd.s32 s0, s3;
	s0 =	sld [smem:$0x3F9E]  }
0x30: {  	s3 =	sld [smem:$0x3FA1]  }
0x31: {  	[smem:$0x3FAA] =	sst s10  }
0x32: {  	s10 =	sld [smem:$0x3FA8];
	_ =	sdelay $0x3  }
0x33: {  	p0 =	seq.s32 s10, $0x1;
	s10 =	sld [smem:$0x3FAA];
	_ =	sdelay $0x3  }
0x34: {  	[smem:$0x3FAA] =	sst s10  }
0x35: {  	s10 =	sld [smem:$0x3FA9];
	_ =	sdelay $0x3  }
0x36: {  	p1 =	seq.s32 s10, $0x1;
	s10 =	sld [smem:$0x3FAA];
	_ =	sdelay $0x3  }
0x37: {  	[smem:$0x3FAA] =	sst s10  }
0x38: {  	s10 =	sld [smem:$0x3FAB]  }
0x39: {  	_ = 	snop;
	(pc) =	sbr.ind lr, $3  }
0x3a: {  	_ = 	snop  }
0x3b: {  	_ = 	snop  }
0x3c: {  	p2 =	seq.s32 s10, $0x1;
	s10 =	sld [smem:$0x3FAA]  }
0x3d: {  	_ =	shalt  }
0x3e: {  	_ =	shalt  }
0x3f: {  	_ =	shalt  }
0x40: {  	_ =	shalt  }
0x41: {  	_ =	shalt  }
0x42: {  	_ =	shalt  }
0x43: {  	_ =	shalt  }
0x44: {  	_ =	shalt  }
0x45: {  	_ =	shalt  }
0x46: {  	_ =	shalt  }
0x47: {  	_ =	shalt  }
0x48: {  	_ =	shalt  }
0x49: {  	_ =	shalt  }
0x4a: {  	_ =	shalt  }
0x4b: {  	_ =	shalt  }
0x4c: {  	_ =	shalt  }
0x4d: {  	_ =	shalt  }
0x4e: {  	_ =	shalt  }
0x4f: {  	_ =	shalt  }
0x50: {  	_ =	shalt  }
0x51: {  	_ =	shalt  }
0x52: {  	_ =	shalt  }
0x53: {  	_ =	shalt  }
0x54: {  	_ =	shalt  }
0x55: {  	_ =	shalt  }
0x56: {  	_ =	shalt  }
0x57: {  	_ =	shalt  }
0x58: {  	_ =	shalt  }
0x59: {  	_ =	shalt  }
0x5a: {  	_ =	shalt  }
0x5b: {  	_ =	shalt  }
0x5c: {  	_ =	shalt  }
0x5d: {  	_ =	shalt  }
0x5e: {  	_ =	shalt  }
0x5f: {  	_ =	shalt  }
0x60: {  	_ =	shalt  }
0x61: {  	_ =	shalt  }
0x62: {  	_ =	shalt  }
0x63: {  	_ =	shalt  }
0x64: {  	_ =	shalt  }
0x65: {  	_ =	shalt  }
0x66: {  	_ =	shalt  }
0x67: {  	_ =	shalt  }
0x68: {  	_ =	shalt  }
0x69: {  	_ =	shalt  }
0x6a: {  	_ =	shalt  }
0x6b: {  	_ =	shalt  }
0x6c: {  	_ =	shalt  }
0x6d: {  	_ =	shalt  }
0x6e: {  	_ =	shalt  }
0x6f: {  	_ =	shalt  }
0x70: {  	_ =	shalt  }
0x71: {  	_ =	shalt  }
0x72: {  	_ =	shalt  }
0x73: {  	_ =	shalt  }
0x74: {  	_ =	shalt  }
0x75: {  	_ =	shalt  }
0x76: {  	_ =	shalt  }
0x77: {  	_ =	shalt  }
0x78: {  	_ =	shalt  }
0x79: {  	_ =	shalt  }
0x7a: {  	_ =	shalt  }
0x7b: {  	_ =	shalt  }
0x7c: {  	_ =	shalt  }
0x7d: {  	_ =	shalt  }
0x7e: {  	_ =	shalt  }
0x7f: {  	_ =	shalt  }
0x80: {  	_ =	shalt  }
0x81: {  	_ =	shalt  }
0x82: {  	_ =	shalt  }
0x83: {  	_ =	shalt  }
0x84: {  	_ =	shalt  }
0x85: {  	_ =	shalt  }
0x86: {  	_ =	shalt  }
0x87: {  	_ =	shalt  }
.Lfunc_end0:
.L_simem_size_0:
called_computation_lowered:
.L_overlay_start_0:
0x88: {  	s2 =	sld [smem:$0x3FD9]  }
0x89: {  	s3 =	sld [smem:$0x3FFE];
	_ =	sdelay $0x1  }
0x8a: {  	s1 =	srdreg.scid  }
0x8b: {  	s0 =	sand.u32 $0x1, s1  }
0x8c: {  	s17 =	sshll.u32 s0, $0xA;
	s2 =	sadd.s32 s3, s2  }
0x8d: {  	s2 =	sadd.s32 s2, s17  }
0x8e: {  	[smem:$0x3FB6] =	sst s2  }
0x8f: {  	_ = 	snop  }
0x90: {  	s2 =	sld [smem:$0x3FC8]  }
0x91: {  	s18 =	sld [smem:$0x3FD0];
	(tm) =	ssettm $0x1  }
0x92: {  	s4 =	sld [smem:$0x3FFB];
	_ =	sdelay $0x3  }
0x93: {  	_ =	strace s4  }
0x94: {  	s4 =	sld [smem:$0x3FFC];
	_ =	sdelay $0x3  }
0x95: {  	_ =	strace s4  }
0x96: {  	s4 =	sld [smem:$0x3FFD];
	_ =	sdelay $0x3  }
0x97: {  	_ =	strace s4  }
0x98: {  	_ =	strace $0x8FFFFFFF  }
0x99: {  	s19 =	sld [smem:$0x3FDB];
	_ =	sdelay $0x1  }
0x9a: {  	s5 =	simm.s32 $_scs_section_size  }
0x9b: {  	s6 =	simm.s32 $_size__tile_overlayer_lowered;
	s7 =	simm.s32 $_tile_overlayer_lowered  }
0x9c: {  	s22 =	simm.s32 $0x1BFF;
	s21 =	sshll.u32 s7, $0x1;
	s4 =	sadd.s32 s5, s19  }
0x9d: {  	s8 =	simm.s32 $0x0;
	s20 =	sshll.u32 s6, $0x1;
	s6 =	sadd.s32 s21, s4  }
0x9e: {  	[timem:s8], [sflag:s22] =	dma.local [hbm:s6], s20  }
0x9f: {  	_ =	swait.ge [sflag:s22], s20  }
0xa0: {  	s5 =	ssub.s32 $0x0, s20;
	[sflag:s22] =	ssyncset.done $0x0  }
0xa1: {  	[sflag:s22] =	ssyncadd.s32 s5;
	_ =	sdelay $0x1  }
0xa2: {  	s23 =	simm.s32 $0x1B8B  }
0xa3: {  	_ =	swait.ge [sflag:s23], $0x1  }
0xa4: {  	[sflag:s23] =	ssyncset.done $0x0  }
0xa5: {  	s25 =	simm.s32 $0x1B8E;
	s24 =	sld [smem:$0x3FFE];
	[sflag:s23] =	ssyncadd.s32 $0xFFFFFFFF  }
0xa6: {  	s26 =	simm.s32 $execute0_lowered;
	[smem:$0x3FD2] =	sst s25  }
0xa7: {  	s6 =	sshll.u32 s26, $0x1;
	_ =	strace $0x80000046;
	[dreg:$0x1] =	wrdreg $0xFFFFFFFF  }
0xa8: {  	s28 =	simm.s32 $_size_execute0_lowered;
	s4 =	sadd.s32 s4, s6;
	[dreg:$0x0] =	wrdreg $0x0  }
0xa9: {  	s6 =	sshll.u32 s28, $0x1;
	[dreg:$0x2] =	wrdreg s4  }
0xaa: {  	[dreg:$0x3] =	wrdreg s6  }
0xab: {  	[dreg:$0x4] =	wrdreg $0xC0  }
0xac: {  	_ =	task [dreg:s8], $0x5FFFF  }
0xad: {  	[dreg:$0x1] =	wrdreg $0xFFFFFFFF  }
0xae: {  	[dreg:$0x0] =	wrdreg $0x60  }
0xaf: {  	[dreg:$0x2] =	wrdreg s2  }
0xb0: {  	[dreg:$0x3] =	wrdreg s18  }
0xb1: {  	[dreg:$0x4] =	wrdreg s24  }
0xb2: {  	[dreg:$0x5] =	wrdreg $0x9  }
0xb3: {  	_ =	task.clear_ibuf [dreg:s8], $0x6FFFF;
	_ =	strace $0x90000046  }
0xb4: {  	s29 =	simm.s32 $0x9;
	_ =	strace $0x80000048  }
0xb5: {  	_ =	swait.ge [sflag:s29], $0x1  }
0xb6: {  	[sflag:s29] =	ssyncadd.s32 $0xFFFFFFFF  }
0xb7: {  	_ =	strace $0x90000048  }
0xb8: {  	_ =	sfence  }
0xb9: {  	s30 =	sld [smem:$0x0];
	_ =	sdelay $0x2  }
0xba: {  	s31 =	sshll.u32 s1, $0xD;
	s1 =	sshrl.u32 s1, $0x2  }
0xbb: {  	s3 =	sand.u32 $0x4000, s31;
	s1 =	sadd.s32 s1, s30  }
0xbc: {  	s0 =	sor.u32 s3, s0;
	s1 =	sshll.u32 s1, $0x11  }
0xbd: {  	s0 =	sor.u32 s1, s0  }
0xbe: {  	s0 =	sadd.s32 $0x8F2B, s0  }
0xbf: {  	[sflag:s0] =	ssyncadd.remote.s32 $0x1  }
0xc0: {  	_ =	sfence.sel $0xFFFF  }
0xc1: {  	[dreg:$0x0] =	wrdreg $0xFFFFFFFF;
	(pc) =	sbr.abs _section_cstart, $3  }
0xc2: {  	[dreg:$0x1] =	wrdreg $0xFFFFFFFF  }
0xc3: {  	_ =	task.clear_ibuf [dreg:s8], $0x2FFFF;
	_ =	strace $0x9FFFFFFF  }
0xc4: {  	(tm) =	ssettm $0x7FFFFFFF  }
0xc5: {  	_ =	shalt  }
tec
execute0_lowered:
.L_overlay_start_1:
0x0: {  	(tag) =	ssettag $0x1  }
0x1: {  	s1 =	rddreg [dreg:$0x0]  }
0x2: {  	s2 =	srdreg.scid;
	s3 =	rddreg [dreg:$0x1]  }
0x3: {  	s6 =	rddreg [dreg:$0x2];
	s4 =	sand.u32 $0x1, s2;
	s2 =	simm.s32 $0x0  }
0x4: {  	s13 =	simm.s32 $0x80;
	[smem:$0x7FF] =	sst s2  }
0x5: {  	s14 =	simm.s32 $0x900;
	_ =	strace $0x80000047;
	[dreg:$0x8] =	wrdreg s13  }
0x6: {  	s0 =	stileid.u32;
	s15 =	simm.s32 $0x1100;
	[dreg:$0x9] =	wrdreg s14  }
0x7: {  	s16 =	simm.s32 $0x1900;
	s17 =	simm.s32 $0x2100;
	[dreg:$0xa] =	wrdreg s15  }
0x8: {  	s19 =	simm.s32 $0x2900;
	s21 =	simm.s32 $0x3100;
	[dreg:$0xb] =	wrdreg s16  }
0x9: {  	s22 =	simm.s32 $0x3900;
	s23 =	simm.s32 $0x4100;
	[dreg:$0xc] =	wrdreg s17  }
0xa: {  	s24 =	simm.s32 $0x4900;
	s25 =	simm.s32 $0x5100;
	[dreg:$0xd] =	wrdreg s19  }
0xb: {  	s26 =	simm.s32 $0x5900;
	s10 =	simm.s32 $0x1;
	[dreg:$0xe] =	wrdreg s21  }
0xc: {  	s28 =	simm.s32 $0xE100;
	s29 =	simm.s32 $0xE900;
	[dreg:$0xf] =	wrdreg s22  }
0xd: {  	s30 =	simm.s32 $0xF100;
	s31 =	simm.s32 $0xF900;
	[dreg:$0x10] =	wrdreg s23  }
0xe: {  	s5 =	sshll.u32 s0, $0x7;
	s7 =	sshll.u32 s4, $0x6;
	[dreg:$0x11] =	wrdreg s24  }
0xf: {  	s4 =	ssub.s32 $0x2, s4;
	s5 =	sor.u32 s7, s5;
	[dreg:$0x12] =	wrdreg s25  }
0x10: {  	s18 =	sshrl.u32 s4, $0x1;
	[dreg:$0x13] =	wrdreg s26;
	s13 =	simm.s32 $0x7100  }
0x11: {  	s14 =	simm.s32 $0x7900;
	s15 =	simm.s32 $0x8100;
	s16 =	simm.s32 $0x8900  }
0x12: {  	s17 =	simm.s32 $0x9100;
	s19 =	simm.s32 $0xA100;
	s21 =	simm.s32 $0xB100  }
0x13: {  	s22 =	simm.s32 $0xB900;
	s23 =	simm.s32 $0xC100;
	s24 =	simm.s32 $0xC900  }
0x14: {  	s25 =	simm.s32 $0xD100;
	s26 =	simm.s32 $0xD900;
	s7 =	sshrl.u32 s5, $0x3  }
0x15: {  	s8 =	sor.u32 $0x20, s5;
	s5 =	sshll.u32 s5, $0x7;
	s20 =	ssub.s32 s4, s18  }
0x16: {  	s4 =	sadd.s32 $0x2500, s6;
	s18 =	simm.s32 $0x9900;
	s7 =	sadd.s32 s3, s7  }
0x17: {  	s9 =	sshrl.u32 s8, $0x3;
	s11 =	sadd.s32 s1, s5;
	s12 =	sshll.u32 s8, $0x7  }
0x18: {  	s5 =	sadd.s32 $0x2600, s6;
	s8 =	simm.s32 $0x3;
	[dreg:$0x4] =	wrdreg s7  }
0x19: {  	s3 =	sadd.s32 s3, s9;
	[dreg:$0x6] =	wrdreg s11;
	s1 =	sadd.s32 s1, s12  }
0x1a: {  	v2 =	vlaneseq.u32;
	s7 =	smax.u32 s20, $0x1;
	s9 =	simm.s32 $0x100;
	[dreg:$0x5] =	wrdreg s3  }
0x1b: {  	vm0 =	vmmov $0xffff;
	v1 =	vshrl.u32 v2, $0x3;
	s12 =	simm.s32 $0x6900;
	s20 =	simm.s32 $0xA900;
	[dreg:$0x7] =	wrdreg s1  }
0x1c: {  	v0 =	vand.u32 $0x7, v2;
	v2 =	vor.u32 $0x8, v2;
	v1 =	vmul.u32 $0x8, v1;
	s3 =	sadd.s32 $0x2400, s6;
	s6 =	sadd.s32 $0x2700, s6;
	s1 =	simm.s32 $0x2  }
.LBB2_1:
0x1d: {  	s0 =	rddreg [dreg:$0x4]  }
0x1e: {  	[tilespmem:s2], [sflag:$0x3] =	stream.linear.gather [hbm4b:s0+s2], $0x20, $0x38;
	[tilespmem:$0x10100] =	vst v63  }
0x1f: {  	_ =	swait.ge [sflag:s8], $0x20  }
0x20: {  	s0 =	rddreg [dreg:$0x5];
	[sflag:s8] =	ssyncset.done $0x0  }
0x21: {  	s11 =	rddreg [dreg:$0x8];
	[sflag:s8] =	ssyncadd.s32 $0xFFFFFFE0  }
0x22: {  	[tilespmem:s11], [sflag:$0x3] =	stream.linear.gather [hbm4b:s0+s2], $0x20, $0x38;
	[tilespmem:$0x10100] =	vst v63  }
0x23: {  	_ =	swait.ge [sflag:s8], $0x20  }
0x24: {  	[sflag:s8] =	ssyncset.done $0x0  }
0x25: {  	s11 =	rddreg [dreg:$0x6];
	[sflag:s8] =	ssyncadd.s32 $0xFFFFFFE0  }
0x26: {  	[tilespmem:s9], [sflag:$0x1] =	stream.linear.gather [hbm4b:s11+s2], $0x8000, $0x38;
	[tilespmem:$0x10100] =	vst v63  }
0x27: {  	_ =	swait.ge [sflag:s10], $0x8000  }
0x28: {  	[sflag:s10] =	ssyncset.done $0x0  }
0x29: {  	[sflag:s10] =	ssyncadd.s32 $0xFFFF8000  }
0x2a: {  	v3 =	vld [tilespmem:$0x0];
	_ =	sdelay $0x4  }
0x2b: {  	v4 =	vshll.u32 v3, $0x3  }
0x2c: {  	v3 =	vand.u32 $0x7, v3;
	v4 =	vand.u32 $0xFFFFFFC0, v4  }
0x2d: {  	v3 =	vor.u32 v3, v4  }
0x2e: {  	v4 =	vperm.xlane v3, v0;
	_ =	sdelay $0x1  }
0x2f: {  	v4 =	vadd.s32 v1, v4;
	_ =	sdelay $0x4  }
0x30: {  	[hbm4b:s3+s2] =	stream.indirect_vreg.scatter [tilespmem:s9], [sflag:$0x2], $0x80, v4, vm0, $0xb8;
	[tilespmem:$0x10100] =	vst v63  }
0x31: {  	s0 =	rddreg [dreg:$0x9];
	v3 =	vperm.xlane v3, v2  }
0x32: {  	[hbm4b:s4+s2] =	stream.indirect_vreg.scatter [tilespmem:s0], [sflag:$0x2], $0x80, v4, vm0, $0xb8;
	[tilespmem:$0x10100] =	vst v63  }
0x33: {  	s11 =	rddreg [dreg:$0xa];
	v3 =	vadd.s32 v1, v3  }
0x34: {  	[hbm4b:s5+s2] =	stream.indirect_vreg.scatter [tilespmem:s11], [sflag:$0x2], $0x80, v4, vm0, $0xb8;
	[tilespmem:$0x10100] =	vst v63  }
0x35: {  	s0 =	rddreg [dreg:$0xb]  }
0x36: {  	[hbm4b:s6+s2] =	stream.indirect_vreg.scatter [tilespmem:s0], [sflag:$0x2], $0x80, v4, vm0, $0xb8;
	[tilespmem:$0x10100] =	vst v63  }
0x37: {  	s11 =	rddreg [dreg:$0xc]  }
0x38: {  	[hbm4b:s3+s2] =	stream.indirect_vreg.scatter [tilespmem:s11], [sflag:$0x2], $0x80, v3, vm0, $0xb8;
	[tilespmem:$0x10100] =	vst v63  }
0x39: {  	s0 =	rddreg [dreg:$0xd]  }
0x3a: {  	[hbm4b:s4+s2] =	stream.indirect_vreg.scatter [tilespmem:s0], [sflag:$0x2], $0x80, v3, vm0, $0xb8;
	[tilespmem:$0x10100] =	vst v63  }
0x3b: {  	s11 =	rddreg [dreg:$0xe]  }
0x3c: {  	[hbm4b:s5+s2] =	stream.indirect_vreg.scatter [tilespmem:s11], [sflag:$0x2], $0x80, v3, vm0, $0xb8;
	[tilespmem:$0x10100] =	vst v63  }
0x3d: {  	s0 =	rddreg [dreg:$0xf]  }
0x3e: {  	[hbm4b:s6+s2] =	stream.indirect_vreg.scatter [tilespmem:s0], [sflag:$0x2], $0x80, v3, vm0, $0xb8;
	[tilespmem:$0x10100] =	vst v63  }
0x3f: {  	v3 =	vld [tilespmem:$0x10];
	_ =	sdelay $0x4  }
0x40: {  	v61 =	vshll.u32 v3, $0x3  }
0x41: {  	v3 =	vand.u32 $0x7, v3;
	v4 =	vand.u32 $0xFFFFFFC0, v61  }
0x42: {  	v3 =	vor.u32 v3, v4  }
0x43: {  	v4 =	vperm.xlane v3, v0;
	_ =	sdelay $0x1  }
0x44: {  	v4 =	vadd.s32 v1, v4;
	_ =	sdelay $0x3  }
0x45: {  	s0 =	rddreg [dreg:$0x10]  }
0x46: {  	[hbm4b:s3+s2] =	stream.indirect_vreg.scatter [tilespmem:s0], [sflag:$0x2], $0x80, v4, vm0, $0xb8;
	[tilespmem:$0x10100] =	vst v63  }
0x47: {  	s11 =	rddreg [dreg:$0x11];
	v3 =	vperm.xlane v3, v2  }
0x48: {  	[hbm4b:s4+s2] =	stream.indirect_vreg.scatter [tilespmem:s11], [sflag:$0x2], $0x80, v4, vm0, $0xb8;
	[tilespmem:$0x10100] =	vst v63  }
0x49: {  	v3 =	vadd.s32 v1, v3;
	s0 =	rddreg [dreg:$0x12]  }
0x4a: {  	[hbm4b:s5+s2] =	stream.indirect_vreg.scatter [tilespmem:s0], [sflag:$0x2], $0x80, v4, vm0, $0xb8;
	[tilespmem:$0x10100] =	vst v63  }
0x4b: {  	s11 =	rddreg [dreg:$0x13]  }
0x4c: {  	[hbm4b:s6+s2] =	stream.indirect_vreg.scatter [tilespmem:s11], [sflag:$0x2], $0x80, v4, vm0, $0xb8;
	[tilespmem:$0x10100] =	vst v63  }
0x4d: {  	s11 =	simm.s32 $0x6100  }
0x4e: {  	[hbm4b:s3+s2] =	stream.indirect_vreg.scatter [tilespmem:s11], [sflag:$0x2], $0x80, v3, vm0, $0xb8;
	[tilespmem:$0x10100] =	vst v63  }
0x4f: {  	_ = 	snop  }
0x50: {  	[hbm4b:s4+s2] =	stream.indirect_vreg.scatter [tilespmem:s12], [sflag:$0x2], $0x80, v3, vm0, $0xb8;
	[tilespmem:$0x10100] =	vst v63  }
0x51: {  	_ = 	snop  }
0x52: {  	[hbm4b:s5+s2] =	stream.indirect_vreg.scatter [tilespmem:s13], [sflag:$0x2], $0x80, v3, vm0, $0xb8;
	[tilespmem:$0x10100] =	vst v63  }
0x53: {  	_ = 	snop  }
0x54: {  	[hbm4b:s6+s2] =	stream.indirect_vreg.scatter [tilespmem:s14], [sflag:$0x2], $0x80, v3, vm0, $0xb8;
	[tilespmem:$0x10100] =	vst v63  }
0x55: {  	s11 =	rddreg [dreg:$0x7]  }
0x56: {  	[tilespmem:s15], [sflag:$0x1] =	stream.linear.gather [hbm4b:s11+s2], $0x8000, $0x38;
	[tilespmem:$0x10100] =	vst v63  }
0x57: {  	_ =	swait.ge [sflag:s10], $0x8000  }
0x58: {  	[sflag:s10] =	ssyncset.done $0x0  }
0x59: {  	[sflag:s10] =	ssyncadd.s32 $0xFFFF8000  }
0x5a: {  	v3 =	vld [tilespmem:$0x80];
	_ =	sdelay $0x4  }
0x5b: {  	v62 =	vshll.u32 v3, $0x3  }
0x5c: {  	v3 =	vand.u32 $0x7, v3;
	v4 =	vand.u32 $0xFFFFFFC0, v62  }
0x5d: {  	v3 =	vor.u32 v3, v4  }
0x5e: {  	v4 =	vperm.xlane v3, v0;
	_ =	sdelay $0x1  }
0x5f: {  	v4 =	vadd.s32 v1, v4;
	_ =	sdelay $0x4  }
0x60: {  	[hbm4b:s3+s2] =	stream.indirect_vreg.scatter [tilespmem:s15], [sflag:$0x2], $0x80, v4, vm0, $0xb8;
	[tilespmem:$0x10100] =	vst v63  }
0x61: {  	v3 =	vperm.xlane v3, v2  }
0x62: {  	[hbm4b:s4+s2] =	stream.indirect_vreg.scatter [tilespmem:s16], [sflag:$0x2], $0x80, v4, vm0, $0xb8;
	[tilespmem:$0x10100] =	vst v63  }
0x63: {  	v3 =	vadd.s32 v1, v3  }
0x64: {  	[hbm4b:s5+s2] =	stream.indirect_vreg.scatter [tilespmem:s17], [sflag:$0x2], $0x80, v4, vm0, $0xb8;
	[tilespmem:$0x10100] =	vst v63  }
0x65: {  	_ = 	snop  }
0x66: {  	[hbm4b:s6+s2] =	stream.indirect_vreg.scatter [tilespmem:s18], [sflag:$0x2], $0x80, v4, vm0, $0xb8;
	[tilespmem:$0x10100] =	vst v63  }
0x67: {  	_ = 	snop  }
0x68: {  	[hbm4b:s3+s2] =	stream.indirect_vreg.scatter [tilespmem:s19], [sflag:$0x2], $0x80, v3, vm0, $0xb8;
	[tilespmem:$0x10100] =	vst v63  }
0x69: {  	_ = 	snop  }
0x6a: {  	[hbm4b:s4+s2] =	stream.indirect_vreg.scatter [tilespmem:s20], [sflag:$0x2], $0x80, v3, vm0, $0xb8;
	[tilespmem:$0x10100] =	vst v63  }
0x6b: {  	_ = 	snop  }
0x6c: {  	[hbm4b:s5+s2] =	stream.indirect_vreg.scatter [tilespmem:s21], [sflag:$0x2], $0x80, v3, vm0, $0xb8;
	[tilespmem:$0x10100] =	vst v63  }
0x6d: {  	_ = 	snop  }
0x6e: {  	[hbm4b:s6+s2] =	stream.indirect_vreg.scatter [tilespmem:s22], [sflag:$0x2], $0x80, v3, vm0, $0xb8;
	[tilespmem:$0x10100] =	vst v63  }
0x6f: {  	v3 =	vld [tilespmem:$0x90];
	_ =	sdelay $0x4  }
0x70: {  	v63 =	vshll.u32 v3, $0x3  }
0x71: {  	v3 =	vand.u32 $0x7, v3;
	v4 =	vand.u32 $0xFFFFFFC0, v63  }
0x72: {  	v3 =	vor.u32 v3, v4  }
0x73: {  	v4 =	vperm.xlane v3, v0;
	_ =	sdelay $0x1  }
0x74: {  	v4 =	vadd.s32 v1, v4;
	_ =	sdelay $0x4  }
0x75: {  	[hbm4b:s3+s2] =	stream.indirect_vreg.scatter [tilespmem:s23], [sflag:$0x2], $0x80, v4, vm0, $0xb8;
	[tilespmem:$0x10100] =	vst v63  }
0x76: {  	v3 =	vperm.xlane v3, v2  }
0x77: {  	[hbm4b:s4+s2] =	stream.indirect_vreg.scatter [tilespmem:s24], [sflag:$0x2], $0x80, v4, vm0, $0xb8;
	[tilespmem:$0x10100] =	vst v63  }
0x78: {  	v3 =	vadd.s32 v1, v3  }
0x79: {  	[hbm4b:s5+s2] =	stream.indirect_vreg.scatter [tilespmem:s25], [sflag:$0x2], $0x80, v4, vm0, $0xb8;
	[tilespmem:$0x10100] =	vst v63  }
0x7a: {  	_ = 	snop  }
0x7b: {  	[hbm4b:s6+s2] =	stream.indirect_vreg.scatter [tilespmem:s26], [sflag:$0x2], $0x80, v4, vm0, $0xb8;
	[tilespmem:$0x10100] =	vst v63  }
0x7c: {  	_ = 	snop  }
0x7d: {  	[hbm4b:s3+s2] =	stream.indirect_vreg.scatter [tilespmem:s28], [sflag:$0x2], $0x80, v3, vm0, $0xb8;
	[tilespmem:$0x10100] =	vst v63  }
0x7e: {  	_ = 	snop  }
0x7f: {  	[hbm4b:s4+s2] =	stream.indirect_vreg.scatter [tilespmem:s29], [sflag:$0x2], $0x80, v3, vm0, $0xb8;
	[tilespmem:$0x10100] =	vst v63  }
0x80: {  	_ = 	snop  }
0x81: {  	[hbm4b:s5+s2] =	stream.indirect_vreg.scatter [tilespmem:s30], [sflag:$0x2], $0x80, v3, vm0, $0xb8;
	[tilespmem:$0x10100] =	vst v63  }
0x82: {  	_ = 	snop  }
0x83: {  	[hbm4b:s6+s2] =	stream.indirect_vreg.scatter [tilespmem:s31], [sflag:$0x2], $0x80, v3, vm0, $0xb8;
	[tilespmem:$0x10100] =	vst v63  }
0x84: {  	p0 =	sne.s32 s7, $0x1;
	_ =	swait.ge [sflag:s1], $0x8000  }
.Ltmp0:
0x85: {  	[sflag:s1] =	ssyncset.done $0x0;
	(pc) =	sbr.rel @p0 .LBB2_1-.Ltmp0, $4  }
0x86: {  	[sflag:s1] =	ssyncadd.s32 $0xFFFF8000  }
0x87: {  	_ =	swait.ge [sflag:s1], $0x8000  }
0x88: {  	[sflag:s1] =	ssyncset.done $0x0  }
0x89: {  	s7 =	sadd.s32 $0xFFFFFFFF, s7;
	[sflag:s1] =	ssyncadd.s32 $0xFFFF8000  }
0x8a: {  	_ =	sfence.sel $0x180000  }
0x8b: {  	[bflag:$0x0] =	sbarrier.arrive $0xFFFF  }
0x8c: {  	_ =	strace $0x90000047  }
0x8d: {  	s0 =	stileid.u32;
	[bflag:$0x2] =	sbarrier.arrive $0xFFFF  }
0x8e: {  	p0 =	sne.s32 s0, $0x0;
	s0 =	rddreg [dreg:$0x3]  }
0x8f: {  	s0 =	sadd.s32 @!p0 $0x100000, s0  }
0x90: {  	[sflag:s0] =	ssyncadd.tile.s32 @!p0 $0x1;
	_ =	shalt  }
.Lfunc_end2:
_tile_overlayer_lowered:
.L_overlay_start_2:
0x91: {  	(tag) =	ssettag $0x2  }
0x92: {  	s0 =	rddreg [dreg:$0x0];
	s2 =	stileid.u32  }
0x93: {  	s1 =	rddreg [dreg:$0x1];
	p0 =	sne.s32 s2, $0x0  }
0x94: {  	s3 =	rddreg [dreg:$0x2];
	[bflag:$0x3] =	sbarrier.arrive $0xFFFF;
	s2 =	simm.s32 @!p0 $0x1C03  }
0x95: {  	[timem:s3], [sflag:s2] =	dma.local @!p0 [hbm:s0], s1  }
0x96: {  	s0 =	simm.s32 @!p0 $0x3  }
0x97: {  	_ =	swait.ge @!p0 [sflag:s0], s1  }
0x98: {  	s1 =	ssub.s32 @!p0 $0x0, s1;
	[sflag:s0] =	ssyncset.done @!p0 $0x0  }
0x99: {  	[sflag:s0] =	ssyncadd.s32 @!p0 s1  }
0x9a: {  	[bflag:$0x3] =	sbarrier.arrive $0xFFFF  }
0x9b: {  	_ =	shalt  }

</sc_bundles>
